<compile_context>
chip_gen: v7x
topology: tpu7x:2x2x1
jax: 0.10.2.dev20260603
libtpu: 0.0.44.dev20260713+nightly
codegen_flags: <defaults>
</compile_context>

<pallas_src>
import functools

import jax
import jax.numpy as jnp
from jax import lax
from jax.experimental import pallas as pl
from jax.experimental.pallas import tpu as pltpu
from jax.experimental.pallas import tpu_sc as plsc

B, S, H = 4, 4096, 768
N = B * S
NC, NS = 2, 16
NW = NC * NS
B_PER_W = N // NW
CH = 64
N_CH = B_PER_W // CH
EPS = 1e-12
R = 256


def _sc_gather(table, idx):
    mesh = plsc.VectorSubcoreMesh(
        core_axis_name="c", subcore_axis_name="s",
        num_cores=NC, num_subcores=NS)

    @functools.partial(
        pl.kernel,
        out_type=jax.ShapeDtypeStruct((N, H), jnp.float32),
        mesh=mesh,
        scratch_types=[
            pltpu.VMEM((CH,), jnp.int32),
            pltpu.VMEM((CH, H), jnp.float32),
            pltpu.SemaphoreType.DMA,
        ],
    )
    def gather_kernel(table_hbm, idx_hbm, out_hbm, idx_v, rows_v, sem):
        wid = lax.axis_index("s") * NC + lax.axis_index("c")
        base = wid * B_PER_W

        def body(i, carry):
            off = base + i * CH
            pltpu.sync_copy(idx_hbm.at[pl.ds(off, CH)], idx_v)
            pltpu.async_copy(table_hbm.at[idx_v], rows_v, sem).wait()
            pltpu.sync_copy(rows_v, out_hbm.at[pl.ds(off, CH)])
            return carry

        lax.fori_loop(0, N_CH, body, 0)

    return gather_kernel(table, idx)


def _ln_body(f_ref, g_ref, ttf_ref, tt_ref, w_ref, b_ref, o_ref):
    t0 = tt_ref[0:1, :]
    t1 = tt_ref[1:2, :]
    x = f_ref[...] + g_ref[...] + t0 + ttf_ref[...] * (t1 - t0)
    mean = jnp.mean(x, axis=1, keepdims=True)
    xc = x - mean
    var = jnp.mean(xc * xc, axis=1, keepdims=True)
    o_ref[...] = xc * lax.rsqrt(var + EPS) * w_ref[...] + b_ref[...]


def _tc_ln(feat2d, gathered, ttf, type_table, ln_w, ln_b):
    grid = (N // R,)
    return pl.pallas_call(
        _ln_body,
        grid=grid,
        in_specs=[
            pl.BlockSpec((R, H), lambda i: (i, 0)),
            pl.BlockSpec((R, H), lambda i: (i, 0)),
            pl.BlockSpec((R, 1), lambda i: (i, 0)),
            pl.BlockSpec((2, H), lambda i: (0, 0)),
            pl.BlockSpec((1, H), lambda i: (0, 0)),
            pl.BlockSpec((1, H), lambda i: (0, 0)),
        ],
        out_specs=pl.BlockSpec((R, H), lambda i: (i, 0)),
        out_shape=jax.ShapeDtypeStruct((N, H), jnp.float32),
    )(feat2d, gathered, ttf, type_table, ln_w, ln_b)


def kernel(input_ids, token_type_ids, position_ids, features, pos_table,
           type_table, ln_w, ln_b):
    del input_ids
    pos_flat = position_ids.reshape(N).astype(jnp.int32)
    gathered = _sc_gather(pos_table, pos_flat)
    ttf = token_type_ids.reshape(N, 1).astype(jnp.float32)
    out = _tc_ln(features.reshape(N, H), gathered, ttf, type_table,
                 ln_w.reshape(1, H), ln_b.reshape(1, H))
    return out.reshape(B, S, H)

# --- scband reference (transcript-rebuilt; emitter-appended) ---
"""Pipeline reference for scband-bert-embeddings-34033320853571 (READ-ONLY COPY).

The authoritative reference and input builder live on the scoring server;
editing this copy changes nothing except your own understanding.
"""

import jax, jax.numpy as jnp
import numpy as np

B, S, H = 4, 4096, 768
MAX_POS = 4096
TYPE_VOCAB = 2
EPS = 1e-12


def setup_inputs(seed: int = 0) -> dict:
    key = jax.random.key(seed)
    k1, k2, k3, k4, k5, k6, k7, k8 = jax.random.split(key, 8)
    input_ids = jax.random.randint(k1, (B, S), 0, 30522, dtype=jnp.int64 if jax.config.jax_enable_x64 else jnp.int32)
    token_type_ids = jax.random.randint(k2, (B, S), 0, TYPE_VOCAB)
    position_ids = jax.random.randint(k3, (B, S), 0, MAX_POS)
    features = jax.random.normal(k4, (B, S, H), dtype=jnp.float32)
    pos_table = jax.random.normal(k5, (MAX_POS, H), dtype=jnp.float32) * 0.02
    type_table = jax.random.normal(k6, (TYPE_VOCAB, H), dtype=jnp.float32) * 0.02
    ln_w = jnp.ones((H,), dtype=jnp.float32)
    ln_b = jnp.zeros((H,), dtype=jnp.float32)
    return {
        "input_ids": input_ids,
        "token_type_ids": token_type_ids,
        "position_ids": position_ids,
        "features": features,
        "pos_table": pos_table,
        "type_table": type_table,
        "ln_w": ln_w,
        "ln_b": ln_b,
    }


def reference(input_ids, token_type_ids, position_ids, features, pos_table, type_table, ln_w, ln_b):
    # token_type embedding lookup (gather)
    token_type_embeddings = jnp.take(type_table, token_type_ids, axis=0)
    # position embedding lookup (gather); position_ids is provided, so take the
    # branch that adds position + token_type + features
    position_embeddings = jnp.take(pos_table, position_ids, axis=0)
    embeddings = position_embeddings + token_type_embeddings + features
    # LayerNorm over last dim, eps = 1e-12
    mean = jnp.mean(embeddings, axis=-1, keepdims=True)
    var = jnp.mean(jnp.square(embeddings - mean), axis=-1, keepdims=True)
    normed = (embeddings - mean) / jnp.sqrt(var + EPS)
    out = normed * ln_w + ln_b
    # dropout is identity in eval mode
    return out

if __name__ == "__main__":
    import jax
    _d = setup_inputs()
    print(jax.jit(kernel)(*tuple(_d.values())))

</pallas_src>

<mosaic_0001>
#map = affine_map<(d0, d1) -> (0, 0)>
#map1 = affine_map<(d0, d1) -> (0)>
module attributes {stable_mosaic.version = 14 : i64} {
  func.func @gather_kernel(%arg0: i32, %arg1: i32, %arg2: memref<4096x768xf32, #tpu.memory_space<hbm>>, %arg3: memref<16384xi32, #tpu.memory_space<hbm>>, %arg4: memref<16384x768xf32, #tpu.memory_space<hbm>>, %arg5: memref<64xi32, #tpu.memory_space<vmem>>, %arg6: memref<64x768xf32, #tpu.memory_space<vmem>>, %arg7: memref<!tpu.dma_semaphore, #tpu.memory_space<semaphore_mem>>) attributes {dimension_semantics = [#tpu.dimension_semantics<core_parallel>, #tpu.dimension_semantics<subcore_parallel>], iteration_bounds = array<i64: 2, 16>, scalar_prefetch = 0 : i64, scratch_operands = 3 : i64, tpu.core_type = #tpu.core_type<sc_vector_subcore>, window_params = [{transform_indices = #map}, {transform_indices = #map1}, {transform_indices = #map}]} {
    %mul3A = arith.constant 2 : i32
    %mul3A_0 = arith.muli %arg1, %mul3A : i32
    %add3A = arith.addi %mul3A_0, %arg0 : i32
    %mul3A_1 = arith.constant 512 : i32
    %mul3A_2 = arith.muli %add3A, %mul3A_1 : i32
    %scan3A = arith.constant 0 : i32
    %scan3A_3 = arith.constant 0 : i32
    %scan3A_4 = arith.constant 8 : i32
    %scan3A_5 = arith.addi %scan3A_3, %scan3A_4 : i32
    %scan3A_6 = arith.constant 1 : i32
    scf.for %scan3A_8 = %scan3A_3 to %scan3A_5 step %scan3A_6  : i32 {
      %mul3A_9 = arith.constant 64 : i32
      %mul3A_10 = arith.muli %scan3A_8, %mul3A_9 : i32
      %add3A_11 = arith.addi %mul3A_2, %mul3A_10 : i32
      "tpu.region"() ({
        %run_scoped3A = tpu.sem_alloc : memref<!tpu.dma_semaphore, #tpu.memory_space<semaphore_mem>>
        %dma_start3A_16 = tpu.memref_slice %arg3[%add3A_11] : memref<16384xi32, #tpu.memory_space<hbm>> -> memref<64xi32, #tpu.memory_space<hbm>>
        %dma_start3A_17 = tpu.memref_slice %arg3[%add3A_11] : memref<16384xi32, #tpu.memory_space<hbm>> -> memref<64xi32, #tpu.memory_space<hbm>>
        tpu.enqueue_dma source(%dma_start3A_17 : memref<64xi32, #tpu.memory_space<hbm>>) target(%arg5 : memref<64xi32, #tpu.memory_space<vmem>>) target_semaphore(%run_scoped3A : memref<!tpu.dma_semaphore, #tpu.memory_space<semaphore_mem>>)
        %dma_wait3A_18 = tpu.memref_slice %arg3[%add3A_11] : memref<16384xi32, #tpu.memory_space<hbm>> -> memref<64xi32, #tpu.memory_space<hbm>>
        %dma_wait3A_19 = tpu.memref_slice %arg3[%add3A_11] : memref<16384xi32, #tpu.memory_space<hbm>> -> memref<64xi32, #tpu.memory_space<hbm>>
        tpu.wait_dma2 semaphore(%run_scoped3A : memref<!tpu.dma_semaphore, #tpu.memory_space<semaphore_mem>>) src(%dma_wait3A_19 : memref<64xi32, #tpu.memory_space<hbm>>) dst(%arg5 : memref<64xi32, #tpu.memory_space<vmem>>)
        tpu.yield
      }) : () -> ()
      %dma_start3A = arith.constant 0 : i32
      %dma_start3A_12 = arith.constant 0 : i32
      %dma_start3A_13 = tpu.memref_slice %arg2[%dma_start3A, %dma_start3A_12] : memref<4096x768xf32, #tpu.memory_space<hbm>> -> memref<4096x768xf32, #tpu.memory_space<hbm>>
      tpu.enqueue_indirect_dma source(%dma_start3A_13 : memref<4096x768xf32, #tpu.memory_space<hbm>>) target(%arg6 : memref<64x768xf32, #tpu.memory_space<vmem>>) offsets(%arg5 : memref<64xi32, #tpu.memory_space<vmem>>) semaphore(%arg7 : memref<!tpu.dma_semaphore, #tpu.memory_space<semaphore_mem>>)
      %dma_wait3A = arith.constant 0 : i32
      %dma_wait3A_14 = arith.constant 0 : i32
      %dma_wait3A_15 = tpu.memref_slice %arg2[%dma_wait3A, %dma_wait3A_14] : memref<4096x768xf32, #tpu.memory_space<hbm>> -> memref<4096x768xf32, #tpu.memory_space<hbm>>
      tpu.wait_indirect_dma semaphore(%arg7 : memref<!tpu.dma_semaphore, #tpu.memory_space<semaphore_mem>>) src(%dma_wait3A_15 : memref<4096x768xf32, #tpu.memory_space<hbm>>) dst(%arg6 : memref<64x768xf32, #tpu.memory_space<vmem>>)
      "tpu.region"() ({
        %run_scoped3A = tpu.sem_alloc : memref<!tpu.dma_semaphore, #tpu.memory_space<semaphore_mem>>
        %dma_start3A_16 = arith.constant 0 : i32
        %dma_start3A_17 = tpu.memref_slice %arg4[%add3A_11, %dma_start3A_16] : memref<16384x768xf32, #tpu.memory_space<hbm>> -> memref<64x768xf32, #tpu.memory_space<hbm>>
        %dma_start3A_18 = arith.constant 0 : i32
        %dma_start3A_19 = tpu.memref_slice %arg4[%add3A_11, %dma_start3A_18] : memref<16384x768xf32, #tpu.memory_space<hbm>> -> memref<64x768xf32, #tpu.memory_space<hbm>>
        tpu.enqueue_dma source(%arg6 : memref<64x768xf32, #tpu.memory_space<vmem>>) target(%dma_start3A_19 : memref<64x768xf32, #tpu.memory_space<hbm>>) target_semaphore(%run_scoped3A : memref<!tpu.dma_semaphore, #tpu.memory_space<semaphore_mem>>)
        %dma_wait3A_20 = arith.constant 0 : i32
        %dma_wait3A_21 = tpu.memref_slice %arg4[%add3A_11, %dma_wait3A_20] : memref<16384x768xf32, #tpu.memory_space<hbm>> -> memref<64x768xf32, #tpu.memory_space<hbm>>
        %dma_wait3A_22 = arith.constant 0 : i32
        %dma_wait3A_23 = tpu.memref_slice %arg4[%add3A_11, %dma_wait3A_22] : memref<16384x768xf32, #tpu.memory_space<hbm>> -> memref<64x768xf32, #tpu.memory_space<hbm>>
        tpu.wait_dma2 semaphore(%run_scoped3A : memref<!tpu.dma_semaphore, #tpu.memory_space<semaphore_mem>>) src(%arg6 : memref<64x768xf32, #tpu.memory_space<vmem>>) dst(%dma_wait3A_23 : memref<64x768xf32, #tpu.memory_space<hbm>>)
        tpu.yield
      }) : () -> ()
    }
    %scan3A_7 = arith.constant 8 : i32
    return
  }
}

module attributes {stable_mosaic.version = 14 : i64} {
  func.func @_ln_body(%arg0: i32, %arg1: memref<256x768xf32, #tpu.memory_space<vmem>>, %arg2: memref<256x768xf32, #tpu.memory_space<vmem>>, %arg3: memref<256x1xf32, #tpu.memory_space<vmem>>, %arg4: memref<2x768xf32, #tpu.memory_space<vmem>>, %arg5: memref<1x768xf32, #tpu.memory_space<vmem>>, %arg6: memref<1x768xf32, #tpu.memory_space<vmem>>, %arg7: memref<256x768xf32, #tpu.memory_space<vmem>>) attributes {dimension_semantics = [#tpu.dimension_semantics<arbitrary>], iteration_bounds = array<i64: 64>, scalar_prefetch = 0 : i64, scratch_operands = 0 : i64, tpu.core_type = #tpu.core_type<tc>, window_params = [{transform_indices = @transform_0, window_bounds = array<i64: 256, 768>}, {transform_indices = @transform_1, window_bounds = array<i64: 256, 768>}, {transform_indices = @transform_2, window_bounds = array<i64: 256, 1>}, {pipeline_mode = #tpu.pipeline_mode<synchronous>, transform_indices = @transform_3, window_bounds = array<i64: 2, 768>}, {pipeline_mode = #tpu.pipeline_mode<synchronous>, transform_indices = @transform_4, window_bounds = array<i64: 1, 768>}, {pipeline_mode = #tpu.pipeline_mode<synchronous>, transform_indices = @transform_5, window_bounds = array<i64: 1, 768>}, {transform_indices = @transform_6, window_bounds = array<i64: 256, 768>}]} {
    %get3A = arith.constant 0 : index
    %get3A_0 = arith.constant 0 : index
    %get3A_1 = vector.load %arg4[%get3A, %get3A_0] : memref<2x768xf32, #tpu.memory_space<vmem>>, vector<1x768xf32>
    %get3A_2 = arith.constant 1 : index
    %get3A_3 = arith.constant 0 : index
    %get3A_4 = vector.load %arg4[%get3A_2, %get3A_3] : memref<2x768xf32, #tpu.memory_space<vmem>>, vector<1x768xf32>
    %get3A_5 = arith.constant 0 : index
    %get3A_6 = arith.constant 0 : index
    %get3A_7 = vector.load %arg1[%get3A_5, %get3A_6] : memref<256x768xf32, #tpu.memory_space<vmem>>, vector<256x768xf32>
    %get3A_8 = arith.constant 0 : index
    %get3A_9 = arith.constant 0 : index
    %get3A_10 = vector.load %arg2[%get3A_8, %get3A_9] : memref<256x768xf32, #tpu.memory_space<vmem>>, vector<256x768xf32>
    %add3A = arith.addf %get3A_7, %get3A_10 : vector<256x768xf32>
    %add3A_11 = vector.broadcast %get3A_1 : vector<1x768xf32> to vector<256x768xf32>
    %add3A_12 = arith.addf %add3A, %add3A_11 : vector<256x768xf32>
    %get3A_13 = arith.constant 0 : index
    %get3A_14 = arith.constant 0 : index
    %get3A_15 = vector.load %arg3[%get3A_13, %get3A_14] : memref<256x1xf32, #tpu.memory_space<vmem>>, vector<256x1xf32>
    %sub3A = arith.subf %get3A_4, %get3A_1 : vector<1x768xf32>
    %mul3A = vector.broadcast %get3A_15 : vector<256x1xf32> to vector<256x768xf32>
    %mul3A_16 = vector.broadcast %sub3A : vector<1x768xf32> to vector<256x768xf32>
    %mul3A_17 = arith.mulf %mul3A, %mul3A_16 : vector<256x768xf32>
    %add3A_18 = arith.addf %add3A_12, %mul3A_17 : vector<256x768xf32>
    %reduce_sum3A = arith.constant dense<0.000000e+00> : vector<256xf32>
    %reduce_sum3A_19 = vector.multi_reduction <add>, %add3A_18, %reduce_sum3A [1] : vector<256x768xf32> to vector<256xf32>
    %broadcast_in_dim3A = vector.shape_cast %reduce_sum3A_19 : vector<256xf32> to vector<256x1xf32>
    %div3A = arith.constant 7.680000e+02 : f32
    %div3A_20 = vector.broadcast %div3A : f32 to vector<256x1xf32>
    %div3A_21 = arith.divf %broadcast_in_dim3A, %div3A_20 : vector<256x1xf32>
    %sub3A_22 = vector.broadcast %div3A_21 : vector<256x1xf32> to vector<256x768xf32>
    %sub3A_23 = arith.subf %add3A_18, %sub3A_22 : vector<256x768xf32>
    %mul3A_24 = arith.mulf %sub3A_23, %sub3A_23 : vector<256x768xf32>
    %reduce_sum3A_25 = arith.constant dense<0.000000e+00> : vector<256xf32>
    %reduce_sum3A_26 = vector.multi_reduction <add>, %mul3A_24, %reduce_sum3A_25 [1] : vector<256x768xf32> to vector<256xf32>
    %broadcast_in_dim3A_27 = vector.shape_cast %reduce_sum3A_26 : vector<256xf32> to vector<256x1xf32>
    %div3A_28 = arith.constant 7.680000e+02 : f32
    %div3A_29 = vector.broadcast %div3A_28 : f32 to vector<256x1xf32>
    %div3A_30 = arith.divf %broadcast_in_dim3A_27, %div3A_29 : vector<256x1xf32>
    %add3A_31 = arith.constant 9.99999996E-13 : f32
    %add3A_32 = vector.broadcast %add3A_31 : f32 to vector<256x1xf32>
    %add3A_33 = arith.addf %div3A_30, %add3A_32 : vector<256x1xf32>
    %rsqrt3A = math.rsqrt %add3A_33 : vector<256x1xf32>
    %mul3A_34 = vector.broadcast %rsqrt3A : vector<256x1xf32> to vector<256x768xf32>
    %mul3A_35 = arith.mulf %sub3A_23, %mul3A_34 : vector<256x768xf32>
    %get3A_36 = arith.constant 0 : index
    %get3A_37 = arith.constant 0 : index
    %get3A_38 = vector.load %arg5[%get3A_36, %get3A_37] : memref<1x768xf32, #tpu.memory_space<vmem>>, vector<1x768xf32>
    %mul3A_39 = vector.broadcast %get3A_38 : vector<1x768xf32> to vector<256x768xf32>
    %mul3A_40 = arith.mulf %mul3A_35, %mul3A_39 : vector<256x768xf32>
    %get3A_41 = arith.constant 0 : index
    %get3A_42 = arith.constant 0 : index
    %get3A_43 = vector.load %arg6[%get3A_41, %get3A_42] : memref<1x768xf32, #tpu.memory_space<vmem>>, vector<1x768xf32>
    %add3A_44 = vector.broadcast %get3A_43 : vector<1x768xf32> to vector<256x768xf32>
    %add3A_45 = arith.addf %mul3A_40, %add3A_44 : vector<256x768xf32>
    %swap3A = arith.constant 0 : index
    %swap3A_46 = arith.constant 0 : index
    %swap3A_47 = vector.load %arg7[%swap3A, %swap3A_46] : memref<256x768xf32, #tpu.memory_space<vmem>>, vector<256x768xf32>
    tpu.vector_store %arg7[%swap3A, %swap3A_46], %add3A_45 {strides = array<i32>} : memref<256x768xf32, #tpu.memory_space<vmem>>, vector<256x768xf32>,
    return
  }
  func.func @transform_0(%arg0: i32) -> (i32, i32) {
    %c0_i32 = arith.constant 0 : i32
    %c0_i32_0 = arith.constant 0 : i32
    return %arg0, %c0_i32 : i32, i32
  }
  func.func @transform_1(%arg0: i32) -> (i32, i32) {
    %c0_i32 = arith.constant 0 : i32
    %c0_i32_0 = arith.constant 0 : i32
    return %arg0, %c0_i32 : i32, i32
  }
  func.func @transform_2(%arg0: i32) -> (i32, i32) {
    %c0_i32 = arith.constant 0 : i32
    %c0_i32_0 = arith.constant 0 : i32
    return %arg0, %c0_i32 : i32, i32
  }
  func.func @transform_3(%arg0: i32) -> (i32, i32) {
    %c0_i32 = arith.constant 0 : i32
    %c0_i32_0 = arith.constant 0 : i32
    %c0_i32_1 = arith.constant 0 : i32
    return %c0_i32, %c0_i32_0 : i32, i32
  }
  func.func @transform_4(%arg0: i32) -> (i32, i32) {
    %c0_i32 = arith.constant 0 : i32
    %c0_i32_0 = arith.constant 0 : i32
    %c0_i32_1 = arith.constant 0 : i32
    return %c0_i32, %c0_i32_0 : i32, i32
  }
  func.func @transform_5(%arg0: i32) -> (i32, i32) {
    %c0_i32 = arith.constant 0 : i32
    %c0_i32_0 = arith.constant 0 : i32
    %c0_i32_1 = arith.constant 0 : i32
    return %c0_i32, %c0_i32_0 : i32, i32
  }
  func.func @transform_6(%arg0: i32) -> (i32, i32) {
    %c0_i32 = arith.constant 0 : i32
    %c0_i32_0 = arith.constant 0 : i32
    return %arg0, %c0_i32 : i32, i32
  }
}

</mosaic_0001>

<sc_bundles>
// kernel: kernel.4.cloned.1.call-start
scs
__scs_entry_jumppad:
0x0: {  	(pc) =	sbr.rel $0x88, $3  }
0x1: {  	(tag) =	ssettag $0x0;
	lr =	simm.s32 $0x1  }
0x2: {  	[smem:$0x3F9A] =	sst lr;
	_ =	strace $0xD0000000  }
0x3: {  	_ = 	snop  }
0x4: {  	_ = 	snop  }
0x5: {  	_ = 	snop  }
0x6: {  	_ = 	snop  }
0x7: {  	_ = 	snop  }
__scs_overlays_trampoline_lowered:
0x8: {  	[smem:$0x3FA9] =	sst s0  }
0x9: {  	[smem:$0x3FAA] =	sst s1  }
0xa: {  	[smem:$0x3FAB] =	sst s2  }
0xb: {  	[smem:$0x3FAC] =	sst s3  }
0xc: {  	[smem:$0x3FAD] =	sst s4  }
0xd: {  	[smem:$0x3FAE] =	sst s5  }
0xe: {  	[smem:$0x3FAF] =	sst s6  }
0xf: {  	[smem:$0x3FB0] =	sst s7  }
0x10: {  	[smem:$0x3FB1] =	sst s8  }
0x11: {  	[smem:$0x3FB2] =	sst s9;
	s0 =	simm.s32 @!p0 $0x0  }
0x12: {  	s1 =	sld [smem:$0x3F98];
	s0 =	simm.s32 @p0 $0x1  }
0x13: {  	[smem:$0x3FB3] =	sst s0;
	s0 =	simm.s32 @!p1 $0x0  }
0x14: {  	s2 =	sld [smem:$0x3F97];
	s0 =	simm.s32 @p1 $0x1  }
0x15: {  	[smem:$0x3FB4] =	sst s0;
	s0 =	simm.s32 @!p2 $0x0  }
0x16: {  	s3 =	sld [smem:$0x3FDB];
	s0 =	simm.s32 @p2 $0x1  }
0x17: {  	s4 =	simm.s32 $0x1BF5;
	[smem:$0x3FB6] =	sst s0  }
0x18: {  	s0 =	sld [smem:$0x3F99];
	_ =	swait.ge [sflag:s4], $0x0  }
0x19: {  	s7 =	sld [smem:$0x3F9A]  }
0x1a: {  	s8 =	sadd.s32 $0xFFFFE003, lr  }
0x1b: {  	s9 =	sadd.s32 $0xFFFFFEF7, lr;
	s5 =	simm.s32 $0xFFFFFFFF;
	p2 =	slt.u32 s8, $0xFFFFF086  }
0x1c: {  	p1 =	slt.u32 s9, $0xF7A;
	s5 =	simm.s32 @!p2 $0x0  }
0x1d: {  	s5 =	simm.s32 @p1 $0x1;
	p0 =	seq.s32 s7, s2  }
0x1e: {  	s7 =	smul.u32 @!p0 $0xF7A, s2;
	p2 =	seq.s32 @!p0 s5, $0x0  }
0x1f: {  	s9 =	smul.u32 $0xF7A, s1;
	s8 =	simm.s32 @!p0 $0x1BF5;
	p2 =	por !p2, p0  }
0x20: {  	[sflag:s8] =	ssyncset.s32 @!p0 $0xFFFFF086;
	s6 =	sadd.s32 @!p0 s3, s7;
	s7 =	simm.s32 @!p0 $0x108  }
0x21: {  	s3 =	sadd.s32 s3, s9;
	s6 =	sadd.s32 @!p0 $0x88, s6;
	s7 =	simm.s32 @p2 $0x1082  }
0x22: {  	[simem:s7], [sflag:s8] =	dma.local @!p0 [hbm:s6], $0xF7A  }
0x23: {  	s9 =	sor.u32 $0xD0000000, s2;
	s6 =	simm.s32 $0x108;
	_ =	swait.ge @!p0 [sflag:s8], $0x0  }
0x24: {  	s3 =	sadd.s32 $0x88, s3;
	s6 =	simm.s32 @!p1 $0x1082;
	[sflag:s4] =	ssyncset.s32 $0xFFFFF086  }
0x25: {  	[simem:s6], [sflag:s4] =	dma.local [hbm:s3], $0xF7A  }
0x26: {  	[smem:$0x3F9A] =	sst s1;
	(tag) =	ssettag s2;
	_ =	strace s9  }
0x27: {  	s1 =	sld [smem:$0x3FAA]  }
0x28: {  	s2 =	sld [smem:$0x3FAB]  }
0x29: {  	s4 =	sld [smem:$0x3FAD]  }
0x2a: {  	p0 =	seq.s32 s5, $0x0;
	s5 =	sld [smem:$0x3FAE]  }
0x2b: {  	s6 =	sld [smem:$0x3FAF]  }
0x2c: {  	s7 =	sld [smem:$0x3FB0]  }
0x2d: {  	s3 =	simm.s32 $0x108;
	s8 =	sld [smem:$0x3FB1]  }
0x2e: {  	s3 =	simm.s32 @!p0 $0x1082;
	s9 =	sld [smem:$0x3FB2]  }
0x2f: {  	lr =	sadd.s32 s0, s3;
	s0 =	sld [smem:$0x3FA9]  }
0x30: {  	s3 =	sld [smem:$0x3FAC]  }
0x31: {  	[smem:$0x3FB5] =	sst s10  }
0x32: {  	s10 =	sld [smem:$0x3FB3];
	_ =	sdelay $0x3  }
0x33: {  	p0 =	seq.s32 s10, $0x1;
	s10 =	sld [smem:$0x3FB5];
	_ =	sdelay $0x3  }
0x34: {  	[smem:$0x3FB5] =	sst s10  }
0x35: {  	s10 =	sld [smem:$0x3FB4];
	_ =	sdelay $0x3  }
0x36: {  	p1 =	seq.s32 s10, $0x1;
	s10 =	sld [smem:$0x3FB5];
	_ =	sdelay $0x3  }
0x37: {  	[smem:$0x3FB5] =	sst s10  }
0x38: {  	s10 =	sld [smem:$0x3FB6]  }
0x39: {  	_ = 	snop;
	(pc) =	sbr.ind lr, $3  }
0x3a: {  	_ = 	snop  }
0x3b: {  	_ = 	snop  }
0x3c: {  	p2 =	seq.s32 s10, $0x1;
	s10 =	sld [smem:$0x3FB5]  }
0x3d: {  	_ =	shalt  }
0x3e: {  	_ =	shalt  }
0x3f: {  	_ =	shalt  }
0x40: {  	_ =	shalt  }
0x41: {  	_ =	shalt  }
0x42: {  	_ =	shalt  }
0x43: {  	_ =	shalt  }
0x44: {  	_ =	shalt  }
0x45: {  	_ =	shalt  }
0x46: {  	_ =	shalt  }
0x47: {  	_ =	shalt  }
0x48: {  	_ =	shalt  }
0x49: {  	_ =	shalt  }
0x4a: {  	_ =	shalt  }
0x4b: {  	_ =	shalt  }
0x4c: {  	_ =	shalt  }
0x4d: {  	_ =	shalt  }
0x4e: {  	_ =	shalt  }
0x4f: {  	_ =	shalt  }
0x50: {  	_ =	shalt  }
0x51: {  	_ =	shalt  }
0x52: {  	_ =	shalt  }
0x53: {  	_ =	shalt  }
0x54: {  	_ =	shalt  }
0x55: {  	_ =	shalt  }
0x56: {  	_ =	shalt  }
0x57: {  	_ =	shalt  }
0x58: {  	_ =	shalt  }
0x59: {  	_ =	shalt  }
0x5a: {  	_ =	shalt  }
0x5b: {  	_ =	shalt  }
0x5c: {  	_ =	shalt  }
0x5d: {  	_ =	shalt  }
0x5e: {  	_ =	shalt  }
0x5f: {  	_ =	shalt  }
0x60: {  	_ =	shalt  }
0x61: {  	_ =	shalt  }
0x62: {  	_ =	shalt  }
0x63: {  	_ =	shalt  }
0x64: {  	_ =	shalt  }
0x65: {  	_ =	shalt  }
0x66: {  	_ =	shalt  }
0x67: {  	_ =	shalt  }
0x68: {  	_ =	shalt  }
0x69: {  	_ =	shalt  }
0x6a: {  	_ =	shalt  }
0x6b: {  	_ =	shalt  }
0x6c: {  	_ =	shalt  }
0x6d: {  	_ =	shalt  }
0x6e: {  	_ =	shalt  }
0x6f: {  	_ =	shalt  }
0x70: {  	_ =	shalt  }
0x71: {  	_ =	shalt  }
0x72: {  	_ =	shalt  }
0x73: {  	_ =	shalt  }
0x74: {  	_ =	shalt  }
0x75: {  	_ =	shalt  }
0x76: {  	_ =	shalt  }
0x77: {  	_ =	shalt  }
0x78: {  	_ =	shalt  }
0x79: {  	_ =	shalt  }
0x7a: {  	_ =	shalt  }
0x7b: {  	_ =	shalt  }
0x7c: {  	_ =	shalt  }
0x7d: {  	_ =	shalt  }
0x7e: {  	_ =	shalt  }
0x7f: {  	_ =	shalt  }
0x80: {  	_ =	shalt  }
0x81: {  	_ =	shalt  }
0x82: {  	_ =	shalt  }
0x83: {  	_ =	shalt  }
0x84: {  	_ =	shalt  }
0x85: {  	_ =	shalt  }
0x86: {  	_ =	shalt  }
0x87: {  	_ =	shalt  }
.Lfunc_end0:
.L_simem_size_0:
called_computation_lowered:
.L_overlay_start_0:
0x88: {  	s2 =	sld [smem:$0x3FD9]  }
0x89: {  	s3 =	sld [smem:$0x3FFE];
	_ =	sdelay $0x1  }
0x8a: {  	s1 =	srdreg.scid  }
0x8b: {  	s0 =	sand.u32 $0x1, s1  }
0x8c: {  	s17 =	sshll.u32 s0, $0xA;
	s2 =	sadd.s32 s3, s2  }
0x8d: {  	s2 =	sadd.s32 s2, s17  }
0x8e: {  	[smem:$0x3FC1] =	sst s2  }
0x8f: {  	_ = 	snop  }
0x90: {  	s2 =	sld [smem:$0x3FC6]  }
0x91: {  	s18 =	sld [smem:$0x3FD0];
	(tm) =	ssettm $0x1  }
0x92: {  	s4 =	sld [smem:$0x3FFB];
	_ =	sdelay $0x3  }
0x93: {  	_ =	strace s4  }
0x94: {  	s4 =	sld [smem:$0x3FFC];
	_ =	sdelay $0x3  }
0x95: {  	_ =	strace s4  }
0x96: {  	s4 =	sld [smem:$0x3FFD];
	_ =	sdelay $0x3  }
0x97: {  	_ =	strace s4  }
0x98: {  	_ =	strace $0x8FFFFFFF  }
0x99: {  	s19 =	sld [smem:$0x3FDB];
	_ =	sdelay $0x1  }
0x9a: {  	s5 =	simm.s32 $_scs_section_size  }
0x9b: {  	s6 =	simm.s32 $_size__tile_overlayer_lowered;
	s7 =	simm.s32 $_tile_overlayer_lowered  }
0x9c: {  	s22 =	simm.s32 $0x1BFF;
	s21 =	sshll.u32 s7, $0x1;
	s4 =	sadd.s32 s5, s19  }
0x9d: {  	s8 =	simm.s32 $0x0;
	s20 =	sshll.u32 s6, $0x1;
	s6 =	sadd.s32 s21, s4  }
0x9e: {  	[timem:s8], [sflag:s22] =	dma.local [hbm:s6], s20  }
0x9f: {  	_ =	swait.ge [sflag:s22], s20  }
0xa0: {  	s5 =	ssub.s32 $0x0, s20;
	[sflag:s22] =	ssyncset.done $0x0  }
0xa1: {  	[sflag:s22] =	ssyncadd.s32 s5;
	_ =	sdelay $0x1  }
0xa2: {  	s23 =	simm.s32 $0x1B8B  }
0xa3: {  	_ =	swait.ge [sflag:s23], $0x1  }
0xa4: {  	[sflag:s23] =	ssyncset.done $0x0  }
0xa5: {  	s25 =	simm.s32 $0x1B8E;
	s24 =	sld [smem:$0x3FFE];
	[sflag:s23] =	ssyncadd.s32 $0xFFFFFFFF  }
0xa6: {  	s26 =	simm.s32 $execute0_lowered;
	[smem:$0x3FD2] =	sst s25  }
0xa7: {  	s6 =	sshll.u32 s26, $0x1;
	_ =	strace $0x80000046;
	[dreg:$0x1] =	wrdreg $0xFFFFFFFF  }
0xa8: {  	s28 =	simm.s32 $_size_execute0_lowered;
	s4 =	sadd.s32 s4, s6;
	[dreg:$0x0] =	wrdreg $0x0  }
0xa9: {  	s6 =	sshll.u32 s28, $0x1;
	[dreg:$0x2] =	wrdreg s4  }
0xaa: {  	[dreg:$0x3] =	wrdreg s6  }
0xab: {  	[dreg:$0x4] =	wrdreg $0xC0  }
0xac: {  	_ =	task [dreg:s8], $0x5FFFF  }
0xad: {  	[dreg:$0x1] =	wrdreg $0xFFFFFFFF  }
0xae: {  	[dreg:$0x0] =	wrdreg $0x60  }
0xaf: {  	[dreg:$0x2] =	wrdreg s2  }
0xb0: {  	[dreg:$0x3] =	wrdreg s18  }
0xb1: {  	[dreg:$0x4] =	wrdreg s24  }
0xb2: {  	[dreg:$0x5] =	wrdreg $0x9  }
0xb3: {  	_ =	task.clear_ibuf [dreg:s8], $0x6FFFF;
	_ =	strace $0x90000046  }
0xb4: {  	s29 =	simm.s32 $0x9;
	_ =	strace $0x80000048  }
0xb5: {  	_ =	swait.ge [sflag:s29], $0x1  }
0xb6: {  	[sflag:s29] =	ssyncadd.s32 $0xFFFFFFFF  }
0xb7: {  	_ =	strace $0x90000048  }
0xb8: {  	_ =	sfence  }
0xb9: {  	s30 =	sld [smem:$0x0];
	_ =	sdelay $0x2  }
0xba: {  	s31 =	sshll.u32 s1, $0xD;
	s1 =	sshrl.u32 s1, $0x2  }
0xbb: {  	s3 =	sand.u32 $0x4000, s31;
	s1 =	sadd.s32 s1, s30  }
0xbc: {  	s0 =	sor.u32 s3, s0;
	s1 =	sshll.u32 s1, $0x11  }
0xbd: {  	s0 =	sor.u32 s1, s0  }
0xbe: {  	s0 =	sadd.s32 $0x8F2B, s0  }
0xbf: {  	[sflag:s0] =	ssyncadd.remote.s32 $0x1  }
0xc0: {  	_ =	sfence.sel $0xFFFF  }
0xc1: {  	[dreg:$0x0] =	wrdreg $0xFFFFFFFF;
	(pc) =	sbr.abs _section_cstart, $3  }
0xc2: {  	[dreg:$0x1] =	wrdreg $0xFFFFFFFF  }
0xc3: {  	_ =	task.clear_ibuf [dreg:s8], $0x2FFFF;
	_ =	strace $0x9FFFFFFF  }
0xc4: {  	(tm) =	ssettm $0x7FFFFFFF  }
0xc5: {  	_ =	shalt  }
tec
execute0_lowered:
.L_overlay_start_1:
0x0: {  	(tag) =	ssettag $0x1  }
0x1: {  	s1 =	rddreg [dreg:$0x0]  }
0x2: {  	s0 =	rddreg [dreg:$0x1]  }
0x3: {  	s2 =	rddreg [dreg:$0x2];
	s3 =	simm.s32 $0x0  }
0x4: {  	s7 =	stileid.u32;
	s4 =	srdreg.scid;
	s21 =	simm.s32 $0x880  }
0x5: {  	s23 =	simm.s32 $0x1080;
	s24 =	simm.s32 $0x1880;
	s26 =	simm.s32 $0x2080  }
0x6: {  	s10 =	simm.s32 $0x2880;
	s11 =	simm.s32 $0x3080;
	s12 =	simm.s32 $0x3880  }
0x7: {  	s13 =	simm.s32 $0x4080;
	s14 =	simm.s32 $0x4880;
	s15 =	simm.s32 $0x5080  }
0x8: {  	s16 =	simm.s32 $0x5880;
	s17 =	simm.s32 $0x6080;
	s18 =	simm.s32 $0x6880  }
0x9: {  	s28 =	simm.s32 $0xB080;
	s29 =	simm.s32 $0xB880;
	s30 =	simm.s32 $0x1  }
0xa: {  	s31 =	simm.s32 $0x0;
	[smem:$0x7FF] =	sst s3;
	s5 =	smul.u32 $0x18000, s7  }
0xb: {  	s6 =	sand.u32 $0x1, s4;
	_ =	strace $0x80000047;
	[dreg:$0x5] =	wrdreg s21  }
0xc: {  	s7 =	sshll.u32 s7, $0x7;
	s4 =	ssub.s32 $0x2, s6;
	[dreg:$0x6] =	wrdreg s23  }
0xd: {  	s9 =	sshll.u32 s6, $0x6;
	s0 =	sadd.s32 s7, s0;
	[dreg:$0x7] =	wrdreg s24  }
0xe: {  	s20 =	smul.u32 $0xC000, s6;
	[dreg:$0x8] =	wrdreg s26;
	s21 =	simm.s32 $0x8080  }
0xf: {  	s23 =	simm.s32 $0x9080;
	s24 =	simm.s32 $0x9880;
	s26 =	simm.s32 $0xA880  }
0x10: {  	s2 =	sadd.s32 s5, s2;
	s19 =	sshrl.u32 s4, $0x1;
	s5 =	sadd.s32 $0x200, s1  }
0x11: {  	s0 =	sadd.s32 s9, s0;
	s9 =	simm.s32 $0x80;
	s8 =	ssub.s32 s4, s19  }
0x12: {  	s4 =	sadd.s32 $0x100, s1;
	[dreg:$0x4] =	wrdreg s0;
	s2 =	sadd.s32 s20, s2  }
0x13: {  	v2 =	vlaneseq.u32;
	s19 =	simm.s32 $0x7080;
	s20 =	simm.s32 $0x7880;
	s22 =	smax.u32 s8, $0x1  }
0x14: {  	vm0 =	vmmov $0xffff;
	v1 =	vshrl.u32 v2, $0x3;
	s25 =	sadd.s32 $0xC00, s2;
	s8 =	simm.s32 $0x2;
	[dreg:$0x9] =	wrdreg s22  }
0x15: {  	v0 =	vand.u32 $0x7, v2;
	v2 =	vor.u32 $0x8, v2;
	v1 =	vmul.u32 $0x8, v1;
	[dreg:$0xa] =	wrdreg s25;
	s22 =	simm.s32 $0x8880;
	s25 =	simm.s32 $0xA080  }
.LBB2_1:
0x16: {  	s7 =	rddreg [dreg:$0xa];
	s2 =	simm.s32 $0x0  }
.LBB2_2:
0x17: {  	s6 =	rddreg [dreg:$0x4]  }
0x18: {  	s6 =	sadd.s32 s2, s6  }
0x19: {  	[tilespmem:s3], [sflag:$0x2] =	stream.linear.gather [hbm4b:s6+s3], $0x40, $0x38;
	[tilespmem:$0xC080] =	vst v63  }
0x1a: {  	_ =	swait.ge [sflag:s8], $0x40  }
0x1b: {  	[sflag:s8] =	ssyncset.done $0x0  }
0x1c: {  	[sflag:s8] =	ssyncadd.s32 $0xFFFFFFC0  }
0x1d: {  	v3 =	vld [tilespmem:$0x0];
	_ =	sdelay $0x4  }
0x1e: {  	v4 =	vshrl.u32 v3, $0x3  }
0x1f: {  	v4 =	vmul.u32 $0x30, v4  }
0x20: {  	v3 =	vand.u32 $0x7, v3  }
0x21: {  	v3 =	vor.u32 v3, v4  }
0x22: {  	v4 =	vperm.xlane v3, v0;
	_ =	sdelay $0x1  }
0x23: {  	v4 =	vadd.s32 v1, v4;
	_ =	sdelay $0x3  }
0x24: {  	v3 =	vperm.xlane v3, v2  }
0x25: {  	[tilespmem:s9], [sflag:$0x1] =	stream.indirect_vreg.gather [hbm4b:s1+s3], $0x80, v4, vm0, $0xb8;
	[tilespmem:$0xC080] =	vst v63  }
0x26: {  	s6 =	rddreg [dreg:$0x5];
	v3 =	vadd.s32 v1, v3  }
0x27: {  	[tilespmem:s6], [sflag:$0x1] =	stream.indirect_vreg.gather [hbm4b:s4+s3], $0x80, v4, vm0, $0xb8;
	[tilespmem:$0xC080] =	vst v63  }
0x28: {  	s0 =	rddreg [dreg:$0x6]  }
0x29: {  	[tilespmem:s0], [sflag:$0x1] =	stream.indirect_vreg.gather [hbm4b:s5+s3], $0x80, v4, vm0, $0xb8;
	[tilespmem:$0xC080] =	vst v63  }
0x2a: {  	s6 =	rddreg [dreg:$0x7]  }
0x2b: {  	[tilespmem:s6], [sflag:$0x1] =	stream.indirect_vreg.gather [hbm4b:s1+s3], $0x80, v3, vm0, $0xb8;
	[tilespmem:$0xC080] =	vst v63  }
0x2c: {  	s0 =	rddreg [dreg:$0x8]  }
0x2d: {  	[tilespmem:s0], [sflag:$0x1] =	stream.indirect_vreg.gather [hbm4b:s4+s3], $0x80, v3, vm0, $0xb8;
	[tilespmem:$0xC080] =	vst v63  }
0x2e: {  	_ = 	snop  }
0x2f: {  	[tilespmem:s10], [sflag:$0x1] =	stream.indirect_vreg.gather [hbm4b:s5+s3], $0x80, v3, vm0, $0xb8;
	[tilespmem:$0xC080] =	vst v63  }
0x30: {  	v3 =	vld [tilespmem:$0x10];
	_ =	sdelay $0x4  }
0x31: {  	v61 =	vshrl.u32 v3, $0x3  }
0x32: {  	v4 =	vmul.u32 $0x30, v61  }
0x33: {  	v3 =	vand.u32 $0x7, v3  }
0x34: {  	v3 =	vor.u32 v3, v4  }
0x35: {  	v4 =	vperm.xlane v3, v0;
	_ =	sdelay $0x1  }
0x36: {  	v4 =	vadd.s32 v1, v4;
	_ =	sdelay $0x3  }
0x37: {  	v3 =	vperm.xlane v3, v2  }
0x38: {  	[tilespmem:s11], [sflag:$0x1] =	stream.indirect_vreg.gather [hbm4b:s1+s3], $0x80, v4, vm0, $0xb8;
	[tilespmem:$0xC080] =	vst v63  }
0x39: {  	v3 =	vadd.s32 v1, v3  }
0x3a: {  	[tilespmem:s12], [sflag:$0x1] =	stream.indirect_vreg.gather [hbm4b:s4+s3], $0x80, v4, vm0, $0xb8;
	[tilespmem:$0xC080] =	vst v63  }
0x3b: {  	_ = 	snop  }
0x3c: {  	[tilespmem:s13], [sflag:$0x1] =	stream.indirect_vreg.gather [hbm4b:s5+s3], $0x80, v4, vm0, $0xb8;
	[tilespmem:$0xC080] =	vst v63  }
0x3d: {  	_ = 	snop  }
0x3e: {  	[tilespmem:s14], [sflag:$0x1] =	stream.indirect_vreg.gather [hbm4b:s1+s3], $0x80, v3, vm0, $0xb8;
	[tilespmem:$0xC080] =	vst v63  }
0x3f: {  	_ = 	snop  }
0x40: {  	[tilespmem:s15], [sflag:$0x1] =	stream.indirect_vreg.gather [hbm4b:s4+s3], $0x80, v3, vm0, $0xb8;
	[tilespmem:$0xC080] =	vst v63  }
0x41: {  	_ = 	snop  }
0x42: {  	[tilespmem:s16], [sflag:$0x1] =	stream.indirect_vreg.gather [hbm4b:s5+s3], $0x80, v3, vm0, $0xb8;
	[tilespmem:$0xC080] =	vst v63  }
0x43: {  	v3 =	vld [tilespmem:$0x20];
	_ =	sdelay $0x4  }
0x44: {  	v62 =	vshrl.u32 v3, $0x3  }
0x45: {  	v4 =	vmul.u32 $0x30, v62  }
0x46: {  	v3 =	vand.u32 $0x7, v3  }
0x47: {  	v3 =	vor.u32 v3, v4  }
0x48: {  	v4 =	vperm.xlane v3, v0;
	_ =	sdelay $0x1  }
0x49: {  	v4 =	vadd.s32 v1, v4;
	_ =	sdelay $0x3  }
0x4a: {  	v3 =	vperm.xlane v3, v2  }
0x4b: {  	[tilespmem:s17], [sflag:$0x1] =	stream.indirect_vreg.gather [hbm4b:s1+s3], $0x80, v4, vm0, $0xb8;
	[tilespmem:$0xC080] =	vst v63  }
0x4c: {  	v3 =	vadd.s32 v1, v3  }
0x4d: {  	[tilespmem:s18], [sflag:$0x1] =	stream.indirect_vreg.gather [hbm4b:s4+s3], $0x80, v4, vm0, $0xb8;
	[tilespmem:$0xC080] =	vst v63  }
0x4e: {  	_ = 	snop  }
0x4f: {  	[tilespmem:s19], [sflag:$0x1] =	stream.indirect_vreg.gather [hbm4b:s5+s3], $0x80, v4, vm0, $0xb8;
	[tilespmem:$0xC080] =	vst v63  }
0x50: {  	_ = 	snop  }
0x51: {  	[tilespmem:s20], [sflag:$0x1] =	stream.indirect_vreg.gather [hbm4b:s1+s3], $0x80, v3, vm0, $0xb8;
	[tilespmem:$0xC080] =	vst v63  }
0x52: {  	_ = 	snop  }
0x53: {  	[tilespmem:s21], [sflag:$0x1] =	stream.indirect_vreg.gather [hbm4b:s4+s3], $0x80, v3, vm0, $0xb8;
	[tilespmem:$0xC080] =	vst v63  }
0x54: {  	_ = 	snop  }
0x55: {  	[tilespmem:s22], [sflag:$0x1] =	stream.indirect_vreg.gather [hbm4b:s5+s3], $0x80, v3, vm0, $0xb8;
	[tilespmem:$0xC080] =	vst v63  }
0x56: {  	v3 =	vld [tilespmem:$0x30];
	_ =	sdelay $0x4  }
0x57: {  	v63 =	vshrl.u32 v3, $0x3  }
0x58: {  	v4 =	vmul.u32 $0x30, v63  }
0x59: {  	v3 =	vand.u32 $0x7, v3  }
0x5a: {  	v3 =	vor.u32 v3, v4  }
0x5b: {  	v4 =	vperm.xlane v3, v0;
	_ =	sdelay $0x1  }
0x5c: {  	v4 =	vadd.s32 v1, v4;
	_ =	sdelay $0x3  }
0x5d: {  	v3 =	vperm.xlane v3, v2  }
0x5e: {  	[tilespmem:s23], [sflag:$0x1] =	stream.indirect_vreg.gather [hbm4b:s1+s3], $0x80, v4, vm0, $0xb8;
	[tilespmem:$0xC080] =	vst v63  }
0x5f: {  	v3 =	vadd.s32 v1, v3  }
0x60: {  	[tilespmem:s24], [sflag:$0x1] =	stream.indirect_vreg.gather [hbm4b:s4+s3], $0x80, v4, vm0, $0xb8;
	[tilespmem:$0xC080] =	vst v63  }
0x61: {  	_ = 	snop  }
0x62: {  	[tilespmem:s25], [sflag:$0x1] =	stream.indirect_vreg.gather [hbm4b:s5+s3], $0x80, v4, vm0, $0xb8;
	[tilespmem:$0xC080] =	vst v63  }
0x63: {  	_ = 	snop  }
0x64: {  	[tilespmem:s26], [sflag:$0x1] =	stream.indirect_vreg.gather [hbm4b:s1+s3], $0x80, v3, vm0, $0xb8;
	[tilespmem:$0xC080] =	vst v63  }
0x65: {  	_ = 	snop  }
0x66: {  	[tilespmem:s28], [sflag:$0x1] =	stream.indirect_vreg.gather [hbm4b:s4+s3], $0x80, v3, vm0, $0xb8;
	[tilespmem:$0xC080] =	vst v63  }
0x67: {  	_ = 	snop  }
0x68: {  	[tilespmem:s29], [sflag:$0x1] =	stream.indirect_vreg.gather [hbm4b:s5+s3], $0x80, v3, vm0, $0xb8;
	[tilespmem:$0xC080] =	vst v63  }
0x69: {  	_ =	swait.ge [sflag:s30], $0xC000  }
0x6a: {  	p0 =	sne.s32 s2, $0x38;
	[sflag:s30] =	ssyncset.done $0x0  }
.Ltmp0:
0x6b: {  	[sflag:s30] =	ssyncadd.s32 $0xFFFF4000;
	(pc) =	sbr.rel @p0 .LBB2_2-.Ltmp0, $4  }
0x6c: {  	[hbm4b:s7+s3] =	stream.linear.scatter [tilespmem:s9], [sflag:$0x2], $0xC000, $0x38;
	[tilespmem:$0xC080] =	vst v63  }
0x6d: {  	_ =	swait.ge [sflag:s8], $0xC000  }
0x6e: {  	[sflag:s8] =	ssyncset.done $0x0  }
0x6f: {  	s2 =	sadd.s32 $0x8, s2;
	s7 =	sadd.s32 $0x1800, s7;
	[sflag:s8] =	ssyncadd.s32 $0xFFFF4000  }
0x70: {  	s31 =	sadd.s32 $0x1, s31;
	s0 =	rddreg [dreg:$0x9]  }
0x71: {  	p0 =	sne.s32 s31, s0  }
.Ltmp1:
0x72: {  	_ = 	snop;
	(pc) =	sbr.rel @p0 .LBB2_1-.Ltmp1, $1  }
0x73: {  	_ =	sdelay $0x3  }
0x74: {  	_ =	sfence.sel $0x180000  }
0x75: {  	[bflag:$0x0] =	sbarrier.arrive $0xFFFF  }
0x76: {  	_ =	strace $0x90000047  }
0x77: {  	s0 =	stileid.u32;
	[bflag:$0x2] =	sbarrier.arrive $0xFFFF  }
0x78: {  	p0 =	sne.s32 s0, $0x0;
	s0 =	rddreg [dreg:$0x3]  }
0x79: {  	s0 =	sadd.s32 @!p0 $0x100000, s0  }
0x7a: {  	[sflag:s0] =	ssyncadd.tile.s32 @!p0 $0x1;
	_ =	shalt  }
.Lfunc_end2:
_tile_overlayer_lowered:
.L_overlay_start_2:
0x7b: {  	(tag) =	ssettag $0x2  }
0x7c: {  	s0 =	rddreg [dreg:$0x0];
	s2 =	stileid.u32  }
0x7d: {  	s1 =	rddreg [dreg:$0x1];
	p0 =	sne.s32 s2, $0x0  }
0x7e: {  	s3 =	rddreg [dreg:$0x2];
	[bflag:$0x3] =	sbarrier.arrive $0xFFFF;
	s2 =	simm.s32 @!p0 $0x1C02  }
0x7f: {  	[timem:s3], [sflag:s2] =	dma.local @!p0 [hbm:s0], s1  }
0x80: {  	s0 =	simm.s32 @!p0 $0x2  }
0x81: {  	_ =	swait.ge @!p0 [sflag:s0], s1  }
0x82: {  	s1 =	ssub.s32 @!p0 $0x0, s1;
	[sflag:s0] =	ssyncset.done @!p0 $0x0  }
0x83: {  	[sflag:s0] =	ssyncadd.s32 @!p0 s1  }
0x84: {  	[bflag:$0x3] =	sbarrier.arrive $0xFFFF  }
0x85: {  	_ =	shalt  }

</sc_bundles>
